<compile_context>
chip_gen: v7x
topology: tpu7x:2x2x1
jax: 0.10.2.dev20260603
libtpu: 0.0.44.dev20260713+nightly
codegen_flags: <defaults>
</compile_context>

<pallas_src>
import functools

import jax
import jax.numpy as jnp
from jax import lax
from jax.experimental import pallas as pl
from jax.experimental.pallas import tpu as pltpu
from jax.experimental.pallas import tpu_sc as plsc

HIDDEN = 4096
NUM_CORES = 2
NUM_SUBCORES = 16
NW = NUM_CORES * NUM_SUBCORES
CHUNK = 8


def _sc_embed(ids_hbm, w_hbm, out_hbm, idx_v, rows_v, sem):
    bpw = idx_v.shape[0]
    nchunk = bpw // CHUNK
    wid = lax.axis_index("s") * NUM_CORES + lax.axis_index("c")
    base = wid * bpw
    pltpu.sync_copy(ids_hbm.at[pl.ds(base, bpw)], idx_v)

    def step(ci, carry):
        off = ci * CHUNK
        pltpu.async_copy(w_hbm.at[idx_v.at[pl.ds(off, CHUNK)]], rows_v, sem).wait()
        pltpu.sync_copy(rows_v, out_hbm.at[pl.ds(base + off, CHUNK)])
        return carry

    lax.fori_loop(0, nchunk, step, 0)


def kernel(frame_type_ids, weight):
    batch = frame_type_ids.shape[0]
    bpw = batch // NW
    ids32 = frame_type_ids.astype(jnp.int32)
    mesh = plsc.VectorSubcoreMesh(core_axis_name="c", subcore_axis_name="s")
    run = pl.kernel(
        _sc_embed,
        out_type=jax.ShapeDtypeStruct((batch, HIDDEN), jnp.float32),
        mesh=mesh,
        scratch_types=[
            pltpu.VMEM((bpw,), jnp.int32),
            pltpu.VMEM((CHUNK, HIDDEN), jnp.float32),
            pltpu.SemaphoreType.DMA,
        ],
    )
    return run(ids32, weight)

# --- scband reference (transcript-rebuilt; emitter-appended) ---
"""Pipeline reference for scband-frame-embedding-72550587564371 (READ-ONLY COPY).

The authoritative reference and input builder live on the scoring server;
editing this copy changes nothing except your own understanding.
"""

import jax, jax.numpy as jnp
import numpy as np

HIDDEN_DIM = 4096
NUM_FRAME_TYPES = 4
BATCH = 16384

def setup_inputs(seed: int = 0) -> dict:
    key = jax.random.key(seed)
    k_idx, k_w = jax.random.split(key)
    frame_type_ids = jax.random.randint(k_idx, (BATCH,), 0, NUM_FRAME_TYPES, dtype=jnp.int64 if jax.config.jax_enable_x64 else jnp.int32)
    # Embedding weight: ones + 0.02 * randn (per module init)
    weight = jnp.ones((NUM_FRAME_TYPES, HIDDEN_DIM), dtype=jnp.float32) + 0.02 * jax.random.normal(k_w, (NUM_FRAME_TYPES, HIDDEN_DIM), dtype=jnp.float32)
    return {"frame_type_ids": frame_type_ids, "weight": weight}

def reference(frame_type_ids, weight):
    # nn.Embedding forward == row gather from the table
    return jnp.take(weight, frame_type_ids, axis=0)

if __name__ == "__main__":
    import jax
    _d = setup_inputs()
    print(jax.jit(kernel)(*tuple(_d.values())))

</pallas_src>

<mosaic_0001>
#map = affine_map<(d0, d1) -> (0)>
#map1 = affine_map<(d0, d1) -> (0, 0)>
module attributes {stable_mosaic.version = 14 : i64} {
  func.func @_sc_embed(%arg0: i32, %arg1: i32, %arg2: memref<16384xi32, #tpu.memory_space<hbm>>, %arg3: memref<4x4096xf32, #tpu.memory_space<hbm>>, %arg4: memref<16384x4096xf32, #tpu.memory_space<hbm>>, %arg5: memref<512xi32, #tpu.memory_space<vmem>>, %arg6: memref<8x4096xf32, #tpu.memory_space<vmem>>, %arg7: memref<!tpu.dma_semaphore, #tpu.memory_space<semaphore_mem>>) attributes {dimension_semantics = [#tpu.dimension_semantics<core_parallel>, #tpu.dimension_semantics<subcore_parallel>], iteration_bounds = array<i64: 2, 16>, scalar_prefetch = 0 : i64, scratch_operands = 3 : i64, tpu.core_type = #tpu.core_type<sc_vector_subcore>, window_params = [{transform_indices = #map}, {transform_indices = #map1}, {transform_indices = #map1}]} {
    %mul3A = arith.constant 2 : i32
    %mul3A_0 = arith.muli %arg1, %mul3A : i32
    %add3A = arith.addi %mul3A_0, %arg0 : i32
    %mul3A_1 = arith.constant 512 : i32
    %mul3A_2 = arith.muli %add3A, %mul3A_1 : i32
    "tpu.region"() ({
      %run_scoped3A = tpu.sem_alloc : memref<!tpu.dma_semaphore, #tpu.memory_space<semaphore_mem>>
      %dma_start3A = tpu.memref_slice %arg2[%mul3A_2] : memref<16384xi32, #tpu.memory_space<hbm>> -> memref<512xi32, #tpu.memory_space<hbm>>
      %dma_start3A_8 = tpu.memref_slice %arg2[%mul3A_2] : memref<16384xi32, #tpu.memory_space<hbm>> -> memref<512xi32, #tpu.memory_space<hbm>>
      tpu.enqueue_dma source(%dma_start3A_8 : memref<512xi32, #tpu.memory_space<hbm>>) target(%arg5 : memref<512xi32, #tpu.memory_space<vmem>>) target_semaphore(%run_scoped3A : memref<!tpu.dma_semaphore, #tpu.memory_space<semaphore_mem>>)
      %dma_wait3A = tpu.memref_slice %arg2[%mul3A_2] : memref<16384xi32, #tpu.memory_space<hbm>> -> memref<512xi32, #tpu.memory_space<hbm>>
      %dma_wait3A_9 = tpu.memref_slice %arg2[%mul3A_2] : memref<16384xi32, #tpu.memory_space<hbm>> -> memref<512xi32, #tpu.memory_space<hbm>>
      tpu.wait_dma2 semaphore(%run_scoped3A : memref<!tpu.dma_semaphore, #tpu.memory_space<semaphore_mem>>) src(%dma_wait3A_9 : memref<512xi32, #tpu.memory_space<hbm>>) dst(%arg5 : memref<512xi32, #tpu.memory_space<vmem>>)
      tpu.yield
    }) : () -> ()
    %scan3A = arith.constant 0 : i32
    %scan3A_3 = arith.constant 0 : i32
    %scan3A_4 = arith.constant 64 : i32
    %scan3A_5 = arith.addi %scan3A_3, %scan3A_4 : i32
    %scan3A_6 = arith.constant 1 : i32
    scf.for %scan3A_8 = %scan3A_3 to %scan3A_5 step %scan3A_6  : i32 {
      %mul3A_9 = arith.constant 8 : i32
      %mul3A_10 = arith.muli %scan3A_8, %mul3A_9 : i32
      %dma_start3A = tpu.memref_slice %arg5[%mul3A_10] : memref<512xi32, #tpu.memory_space<vmem>> -> memref<8xi32, #tpu.memory_space<vmem>>
      %dma_start3A_11 = arith.constant 0 : i32
      %dma_start3A_12 = arith.constant 0 : i32
      %dma_start3A_13 = tpu.memref_slice %arg3[%dma_start3A_11, %dma_start3A_12] : memref<4x4096xf32, #tpu.memory_space<hbm>> -> memref<4x4096xf32, #tpu.memory_space<hbm>>
      tpu.enqueue_indirect_dma source(%dma_start3A_13 : memref<4x4096xf32, #tpu.memory_space<hbm>>) target(%arg6 : memref<8x4096xf32, #tpu.memory_space<vmem>>) offsets(%dma_start3A : memref<8xi32, #tpu.memory_space<vmem>>) semaphore(%arg7 : memref<!tpu.dma_semaphore, #tpu.memory_space<semaphore_mem>>)
      %dma_wait3A = tpu.memref_slice %arg5[%mul3A_10] : memref<512xi32, #tpu.memory_space<vmem>> -> memref<8xi32, #tpu.memory_space<vmem>>
      %dma_wait3A_14 = arith.constant 0 : i32
      %dma_wait3A_15 = arith.constant 0 : i32
      %dma_wait3A_16 = tpu.memref_slice %arg3[%dma_wait3A_14, %dma_wait3A_15] : memref<4x4096xf32, #tpu.memory_space<hbm>> -> memref<4x4096xf32, #tpu.memory_space<hbm>>
      tpu.wait_indirect_dma semaphore(%arg7 : memref<!tpu.dma_semaphore, #tpu.memory_space<semaphore_mem>>) src(%dma_wait3A_16 : memref<4x4096xf32, #tpu.memory_space<hbm>>) dst(%arg6 : memref<8x4096xf32, #tpu.memory_space<vmem>>)
      %add3A_17 = arith.addi %mul3A_2, %mul3A_10 : i32
      "tpu.region"() ({
        %run_scoped3A = tpu.sem_alloc : memref<!tpu.dma_semaphore, #tpu.memory_space<semaphore_mem>>
        %dma_start3A_18 = arith.constant 0 : i32
        %dma_start3A_19 = tpu.memref_slice %arg4[%add3A_17, %dma_start3A_18] : memref<16384x4096xf32, #tpu.memory_space<hbm>> -> memref<8x4096xf32, #tpu.memory_space<hbm>>
        %dma_start3A_20 = arith.constant 0 : i32
        %dma_start3A_21 = tpu.memref_slice %arg4[%add3A_17, %dma_start3A_20] : memref<16384x4096xf32, #tpu.memory_space<hbm>> -> memref<8x4096xf32, #tpu.memory_space<hbm>>
        tpu.enqueue_dma source(%arg6 : memref<8x4096xf32, #tpu.memory_space<vmem>>) target(%dma_start3A_21 : memref<8x4096xf32, #tpu.memory_space<hbm>>) target_semaphore(%run_scoped3A : memref<!tpu.dma_semaphore, #tpu.memory_space<semaphore_mem>>)
        %dma_wait3A_22 = arith.constant 0 : i32
        %dma_wait3A_23 = tpu.memref_slice %arg4[%add3A_17, %dma_wait3A_22] : memref<16384x4096xf32, #tpu.memory_space<hbm>> -> memref<8x4096xf32, #tpu.memory_space<hbm>>
        %dma_wait3A_24 = arith.constant 0 : i32
        %dma_wait3A_25 = tpu.memref_slice %arg4[%add3A_17, %dma_wait3A_24] : memref<16384x4096xf32, #tpu.memory_space<hbm>> -> memref<8x4096xf32, #tpu.memory_space<hbm>>
        tpu.wait_dma2 semaphore(%run_scoped3A : memref<!tpu.dma_semaphore, #tpu.memory_space<semaphore_mem>>) src(%arg6 : memref<8x4096xf32, #tpu.memory_space<vmem>>) dst(%dma_wait3A_25 : memref<8x4096xf32, #tpu.memory_space<hbm>>)
        tpu.yield
      }) : () -> ()
    }
    %scan3A_7 = arith.constant 64 : i32
    return
  }
}

</mosaic_0001>

<sc_bundles>
// kernel: kernel.3.cloned.1.call-start
scs
__scs_entry_jumppad:
0x0: {  	(pc) =	sbr.rel $0x88, $3  }
0x1: {  	(tag) =	ssettag $0x0;
	lr =	simm.s32 $0x1  }
0x2: {  	[smem:$0x3F9F] =	sst lr;
	_ =	strace $0xD0000000  }
0x3: {  	_ = 	snop  }
0x4: {  	_ = 	snop  }
0x5: {  	_ = 	snop  }
0x6: {  	_ = 	snop  }
0x7: {  	_ = 	snop  }
__scs_overlays_trampoline_lowered:
0x8: {  	[smem:$0x3FAE] =	sst s0  }
0x9: {  	[smem:$0x3FAF] =	sst s1  }
0xa: {  	[smem:$0x3FB0] =	sst s2  }
0xb: {  	[smem:$0x3FB1] =	sst s3  }
0xc: {  	[smem:$0x3FB2] =	sst s4  }
0xd: {  	[smem:$0x3FB3] =	sst s5  }
0xe: {  	[smem:$0x3FB4] =	sst s6  }
0xf: {  	[smem:$0x3FB5] =	sst s7  }
0x10: {  	[smem:$0x3FB6] =	sst s8  }
0x11: {  	[smem:$0x3FB7] =	sst s9;
	s0 =	simm.s32 @!p0 $0x0  }
0x12: {  	s1 =	sld [smem:$0x3F9D];
	s0 =	simm.s32 @p0 $0x1  }
0x13: {  	[smem:$0x3FB8] =	sst s0;
	s0 =	simm.s32 @!p1 $0x0  }
0x14: {  	s2 =	sld [smem:$0x3F9C];
	s0 =	simm.s32 @p1 $0x1  }
0x15: {  	[smem:$0x3FB9] =	sst s0;
	s0 =	simm.s32 @!p2 $0x0  }
0x16: {  	s3 =	sld [smem:$0x3FDB];
	s0 =	simm.s32 @p2 $0x1  }
0x17: {  	s4 =	simm.s32 $0x1BF5;
	[smem:$0x3FBB] =	sst s0  }
0x18: {  	s0 =	sld [smem:$0x3F9E];
	_ =	swait.ge [sflag:s4], $0x0  }
0x19: {  	s7 =	sld [smem:$0x3F9F]  }
0x1a: {  	s8 =	sadd.s32 $0xFFFFE003, lr  }
0x1b: {  	s9 =	sadd.s32 $0xFFFFFEF7, lr;
	s5 =	simm.s32 $0xFFFFFFFF;
	p2 =	slt.u32 s8, $0xFFFFF086  }
0x1c: {  	p1 =	slt.u32 s9, $0xF7A;
	s5 =	simm.s32 @!p2 $0x0  }
0x1d: {  	s5 =	simm.s32 @p1 $0x1;
	p0 =	seq.s32 s7, s2  }
0x1e: {  	s7 =	smul.u32 @!p0 $0xF7A, s2;
	p2 =	seq.s32 @!p0 s5, $0x0  }
0x1f: {  	s9 =	smul.u32 $0xF7A, s1;
	s8 =	simm.s32 @!p0 $0x1BF5;
	p2 =	por !p2, p0  }
0x20: {  	[sflag:s8] =	ssyncset.s32 @!p0 $0xFFFFF086;
	s6 =	sadd.s32 @!p0 s3, s7;
	s7 =	simm.s32 @!p0 $0x108  }
0x21: {  	s3 =	sadd.s32 s3, s9;
	s6 =	sadd.s32 @!p0 $0x88, s6;
	s7 =	simm.s32 @p2 $0x1082  }
0x22: {  	[simem:s7], [sflag:s8] =	dma.local @!p0 [hbm:s6], $0xF7A  }
0x23: {  	s9 =	sor.u32 $0xD0000000, s2;
	s6 =	simm.s32 $0x108;
	_ =	swait.ge @!p0 [sflag:s8], $0x0  }
0x24: {  	s3 =	sadd.s32 $0x88, s3;
	s6 =	simm.s32 @!p1 $0x1082;
	[sflag:s4] =	ssyncset.s32 $0xFFFFF086  }
0x25: {  	[simem:s6], [sflag:s4] =	dma.local [hbm:s3], $0xF7A  }
0x26: {  	[smem:$0x3F9F] =	sst s1;
	(tag) =	ssettag s2;
	_ =	strace s9  }
0x27: {  	s1 =	sld [smem:$0x3FAF]  }
0x28: {  	s2 =	sld [smem:$0x3FB0]  }
0x29: {  	s4 =	sld [smem:$0x3FB2]  }
0x2a: {  	p0 =	seq.s32 s5, $0x0;
	s5 =	sld [smem:$0x3FB3]  }
0x2b: {  	s6 =	sld [smem:$0x3FB4]  }
0x2c: {  	s7 =	sld [smem:$0x3FB5]  }
0x2d: {  	s3 =	simm.s32 $0x108;
	s8 =	sld [smem:$0x3FB6]  }
0x2e: {  	s3 =	simm.s32 @!p0 $0x1082;
	s9 =	sld [smem:$0x3FB7]  }
0x2f: {  	lr =	sadd.s32 s0, s3;
	s0 =	sld [smem:$0x3FAE]  }
0x30: {  	s3 =	sld [smem:$0x3FB1]  }
0x31: {  	[smem:$0x3FBA] =	sst s10  }
0x32: {  	s10 =	sld [smem:$0x3FB8];
	_ =	sdelay $0x3  }
0x33: {  	p0 =	seq.s32 s10, $0x1;
	s10 =	sld [smem:$0x3FBA];
	_ =	sdelay $0x3  }
0x34: {  	[smem:$0x3FBA] =	sst s10  }
0x35: {  	s10 =	sld [smem:$0x3FB9];
	_ =	sdelay $0x3  }
0x36: {  	p1 =	seq.s32 s10, $0x1;
	s10 =	sld [smem:$0x3FBA];
	_ =	sdelay $0x3  }
0x37: {  	[smem:$0x3FBA] =	sst s10  }
0x38: {  	s10 =	sld [smem:$0x3FBB]  }
0x39: {  	_ = 	snop;
	(pc) =	sbr.ind lr, $3  }
0x3a: {  	_ = 	snop  }
0x3b: {  	_ = 	snop  }
0x3c: {  	p2 =	seq.s32 s10, $0x1;
	s10 =	sld [smem:$0x3FBA]  }
0x3d: {  	_ =	shalt  }
0x3e: {  	_ =	shalt  }
0x3f: {  	_ =	shalt  }
0x40: {  	_ =	shalt  }
0x41: {  	_ =	shalt  }
0x42: {  	_ =	shalt  }
0x43: {  	_ =	shalt  }
0x44: {  	_ =	shalt  }
0x45: {  	_ =	shalt  }
0x46: {  	_ =	shalt  }
0x47: {  	_ =	shalt  }
0x48: {  	_ =	shalt  }
0x49: {  	_ =	shalt  }
0x4a: {  	_ =	shalt  }
0x4b: {  	_ =	shalt  }
0x4c: {  	_ =	shalt  }
0x4d: {  	_ =	shalt  }
0x4e: {  	_ =	shalt  }
0x4f: {  	_ =	shalt  }
0x50: {  	_ =	shalt  }
0x51: {  	_ =	shalt  }
0x52: {  	_ =	shalt  }
0x53: {  	_ =	shalt  }
0x54: {  	_ =	shalt  }
0x55: {  	_ =	shalt  }
0x56: {  	_ =	shalt  }
0x57: {  	_ =	shalt  }
0x58: {  	_ =	shalt  }
0x59: {  	_ =	shalt  }
0x5a: {  	_ =	shalt  }
0x5b: {  	_ =	shalt  }
0x5c: {  	_ =	shalt  }
0x5d: {  	_ =	shalt  }
0x5e: {  	_ =	shalt  }
0x5f: {  	_ =	shalt  }
0x60: {  	_ =	shalt  }
0x61: {  	_ =	shalt  }
0x62: {  	_ =	shalt  }
0x63: {  	_ =	shalt  }
0x64: {  	_ =	shalt  }
0x65: {  	_ =	shalt  }
0x66: {  	_ =	shalt  }
0x67: {  	_ =	shalt  }
0x68: {  	_ =	shalt  }
0x69: {  	_ =	shalt  }
0x6a: {  	_ =	shalt  }
0x6b: {  	_ =	shalt  }
0x6c: {  	_ =	shalt  }
0x6d: {  	_ =	shalt  }
0x6e: {  	_ =	shalt  }
0x6f: {  	_ =	shalt  }
0x70: {  	_ =	shalt  }
0x71: {  	_ =	shalt  }
0x72: {  	_ =	shalt  }
0x73: {  	_ =	shalt  }
0x74: {  	_ =	shalt  }
0x75: {  	_ =	shalt  }
0x76: {  	_ =	shalt  }
0x77: {  	_ =	shalt  }
0x78: {  	_ =	shalt  }
0x79: {  	_ =	shalt  }
0x7a: {  	_ =	shalt  }
0x7b: {  	_ =	shalt  }
0x7c: {  	_ =	shalt  }
0x7d: {  	_ =	shalt  }
0x7e: {  	_ =	shalt  }
0x7f: {  	_ =	shalt  }
0x80: {  	_ =	shalt  }
0x81: {  	_ =	shalt  }
0x82: {  	_ =	shalt  }
0x83: {  	_ =	shalt  }
0x84: {  	_ =	shalt  }
0x85: {  	_ =	shalt  }
0x86: {  	_ =	shalt  }
0x87: {  	_ =	shalt  }
.Lfunc_end0:
.L_simem_size_0:
called_computation_lowered:
.L_overlay_start_0:
0x88: {  	s2 =	sld [smem:$0x3FD9]  }
0x89: {  	s3 =	sld [smem:$0x3FFE];
	_ =	sdelay $0x1  }
0x8a: {  	s1 =	srdreg.scid  }
0x8b: {  	s0 =	sand.u32 $0x1, s1  }
0x8c: {  	s18 =	sshll.u32 s0, $0xA;
	s2 =	sadd.s32 s3, s2  }
0x8d: {  	s2 =	sadd.s32 s2, s18  }
0x8e: {  	[smem:$0x3FC6] =	sst s2  }
0x8f: {  	_ = 	snop  }
0x90: {  	s2 =	sld [smem:$0x3FC9]  }
0x91: {  	s19 =	sld [smem:$0x3FC8]  }
0x92: {  	s4 =	sld [smem:$0x3FD0];
	(tm) =	ssettm $0x1  }
0x93: {  	s5 =	sld [smem:$0x3FFB];
	_ =	sdelay $0x3  }
0x94: {  	_ =	strace s5  }
0x95: {  	s5 =	sld [smem:$0x3FFC];
	_ =	sdelay $0x3  }
0x96: {  	_ =	strace s5  }
0x97: {  	s5 =	sld [smem:$0x3FFD];
	_ =	sdelay $0x3  }
0x98: {  	_ =	strace s5  }
0x99: {  	_ =	strace $0x8FFFFFFF  }
0x9a: {  	s20 =	sld [smem:$0x3FDB];
	_ =	sdelay $0x1  }
0x9b: {  	s6 =	simm.s32 $_scs_section_size  }
0x9c: {  	s7 =	simm.s32 $_size__tile_overlayer_lowered;
	s8 =	simm.s32 $_tile_overlayer_lowered  }
0x9d: {  	s23 =	simm.s32 $0x1BFF;
	s22 =	sshll.u32 s8, $0x1;
	s5 =	sadd.s32 s6, s20  }
0x9e: {  	s9 =	simm.s32 $0x0;
	s21 =	sshll.u32 s7, $0x1;
	s7 =	sadd.s32 s22, s5  }
0x9f: {  	[timem:s9], [sflag:s23] =	dma.local [hbm:s7], s21  }
0xa0: {  	_ =	swait.ge [sflag:s23], s21  }
0xa1: {  	s6 =	ssub.s32 $0x0, s21;
	[sflag:s23] =	ssyncset.done $0x0  }
0xa2: {  	[sflag:s23] =	ssyncadd.s32 s6;
	_ =	sdelay $0x1  }
0xa3: {  	s24 =	simm.s32 $0x1B8B  }
0xa4: {  	_ =	swait.ge [sflag:s24], $0x1  }
0xa5: {  	[sflag:s24] =	ssyncset.done $0x0  }
0xa6: {  	s25 =	simm.s32 $0x1B8E;
	[sflag:s24] =	ssyncadd.s32 $0xFFFFFFFF  }
0xa7: {  	s26 =	simm.s32 $execute0_lowered;
	[smem:$0x3FD2] =	sst s25  }
0xa8: {  	s6 =	sshll.u32 s26, $0x1;
	_ =	strace $0x80000046;
	[dreg:$0x1] =	wrdreg $0xFFFFFFFF  }
0xa9: {  	s28 =	simm.s32 $_size_execute0_lowered;
	s5 =	sadd.s32 s5, s6;
	[dreg:$0x0] =	wrdreg $0x0  }
0xaa: {  	s6 =	sshll.u32 s28, $0x1;
	[dreg:$0x2] =	wrdreg s5  }
0xab: {  	[dreg:$0x3] =	wrdreg s6  }
0xac: {  	[dreg:$0x4] =	wrdreg $0xC0  }
0xad: {  	_ =	task [dreg:s9], $0x5FFFF  }
0xae: {  	[dreg:$0x1] =	wrdreg $0xFFFFFFFF  }
0xaf: {  	[dreg:$0x0] =	wrdreg $0x60  }
0xb0: {  	[dreg:$0x2] =	wrdreg s2  }
0xb1: {  	[dreg:$0x3] =	wrdreg s19  }
0xb2: {  	[dreg:$0x4] =	wrdreg s4  }
0xb3: {  	[dreg:$0x5] =	wrdreg $0x9  }
0xb4: {  	_ =	task.clear_ibuf [dreg:s9], $0x6FFFF;
	_ =	strace $0x90000046  }
0xb5: {  	s29 =	simm.s32 $0x9;
	_ =	strace $0x80000048  }
0xb6: {  	_ =	swait.ge [sflag:s29], $0x1  }
0xb7: {  	[sflag:s29] =	ssyncadd.s32 $0xFFFFFFFF  }
0xb8: {  	_ =	strace $0x90000048  }
0xb9: {  	_ =	sfence  }
0xba: {  	s30 =	sld [smem:$0x0];
	_ =	sdelay $0x2  }
0xbb: {  	s31 =	sshll.u32 s1, $0xD;
	s1 =	sshrl.u32 s1, $0x2  }
0xbc: {  	s3 =	sand.u32 $0x4000, s31;
	s1 =	sadd.s32 s1, s30  }
0xbd: {  	s0 =	sor.u32 s3, s0;
	s1 =	sshll.u32 s1, $0x11  }
0xbe: {  	s0 =	sor.u32 s1, s0  }
0xbf: {  	s0 =	sadd.s32 $0x8F2B, s0  }
0xc0: {  	[sflag:s0] =	ssyncadd.remote.s32 $0x1  }
0xc1: {  	_ =	sfence.sel $0xFFFF  }
0xc2: {  	[dreg:$0x0] =	wrdreg $0xFFFFFFFF;
	(pc) =	sbr.abs _section_cstart, $3  }
0xc3: {  	[dreg:$0x1] =	wrdreg $0xFFFFFFFF  }
0xc4: {  	_ =	task.clear_ibuf [dreg:s9], $0x2FFFF;
	_ =	strace $0x9FFFFFFF  }
0xc5: {  	(tm) =	ssettm $0x7FFFFFFF  }
tec
execute0_lowered:
.L_overlay_start_1:
0x0: {  	(tag) =	ssettag $0x1  }
0x1: {  	s0 =	rddreg [dreg:$0x0]  }
0x2: {  	s1 =	rddreg [dreg:$0x1]  }
0x3: {  	s3 =	rddreg [dreg:$0x2];
	s2 =	simm.s32 $0x0;
	s4 =	srdreg.scid  }
0x4: {  	s10 =	stileid.u32;
	s13 =	simm.s32 $0x2;
	s14 =	simm.s32 $0x200  }
0x5: {  	s15 =	simm.s32 $0xA00;
	s28 =	simm.s32 $0x6A00;
	s29 =	simm.s32 $0x7200  }
0x6: {  	s30 =	simm.s32 $0x7A00;
	[smem:$0x7FF] =	sst s2;
	s5 =	sadd.s32 $0x80, s1  }
0x7: {  	s16 =	sadd.s32 $0x100, s1;
	_ =	strace $0x80000047;
	[dreg:$0x4] =	wrdreg s5  }
0x8: {  	s31 =	simm.s32 $0x1;
	s17 =	sadd.s32 $0x180, s1;
	[dreg:$0x5] =	wrdreg s16  }
0x9: {  	s4 =	sand.u32 $0x1, s4;
	s18 =	sadd.s32 $0x200, s1;
	[dreg:$0x6] =	wrdreg s17  }
0xa: {  	s19 =	sadd.s32 $0x280, s1;
	s8 =	sshll.u32 s10, $0xA;
	[dreg:$0x7] =	wrdreg s18  }
0xb: {  	s20 =	sadd.s32 $0x300, s1;
	s21 =	sadd.s32 $0x380, s1;
	[dreg:$0x8] =	wrdreg s19  }
0xc: {  	s22 =	sadd.s32 $0x400, s1;
	s23 =	sadd.s32 $0x480, s1;
	[dreg:$0x9] =	wrdreg s20  }
0xd: {  	s24 =	sshll.u32 s10, $0x13;
	s10 =	sadd.s32 $0x780, s1;
	[dreg:$0xa] =	wrdreg s21  }
0xe: {  	s6 =	ssub.s32 $0x2, s4;
	s9 =	sshll.u32 s4, $0x9;
	[dreg:$0xb] =	wrdreg s22  }
0xf: {  	[dreg:$0xc] =	wrdreg s23;
	s5 =	sadd.s32 $0x500, s1;
	s25 =	sshll.u32 s4, $0x12  }
0x10: {  	s16 =	simm.s32 $0x1200;
	s17 =	simm.s32 $0x1A00;
	s18 =	simm.s32 $0x2200  }
0x11: {  	s19 =	simm.s32 $0x2A00;
	s20 =	simm.s32 $0x3200;
	s21 =	simm.s32 $0x3A00  }
0x12: {  	s22 =	simm.s32 $0x4200;
	s23 =	simm.s32 $0x4A00;
	s8 =	sor.u32 s9, s8  }
0x13: {  	s7 =	sshrl.u32 s6, $0x1;
	s9 =	sadd.s32 $0x700, s1;
	s8 =	sshrl.u32 s8, $0x3  }
0x14: {  	s11 =	ssub.s32 s6, s7;
	s6 =	sadd.s32 $0x580, s1;
	s0 =	sadd.s32 s0, s8  }
0x15: {  	s7 =	sadd.s32 $0x600, s1;
	s26 =	smax.u32 s11, $0x1;
	[dreg:$0xd] =	wrdreg s0  }
0x16: {  	v0 =	vlaneseq.u32;
	s8 =	sadd.s32 $0x680, s1;
	s0 =	sadd.s32 s24, s3;
	[dreg:$0xe] =	wrdreg s26  }
0x17: {  	v1 =	vshrl.u32 v0, $0x3;
	s24 =	simm.s32 $0x5200;
	s26 =	simm.s32 $0x6200;
	s0 =	sadd.s32 s25, s0  }
0x18: {  	vm0 =	vmmov $0xffff;
	v0 =	vand.u32 $0x7, v0;
	v1 =	vmul.u32 $0x4, v1;
	s3 =	simm.s32 $0x0;
	s25 =	simm.s32 $0x5A00;
	[dreg:$0xf] =	wrdreg s0  }
.LBB2_1:
0x19: {  	[dreg:$0x10] =	wrdreg s3  }
0x1a: {  	s0 =	rddreg [dreg:$0xd]  }
0x1b: {  	[tilespmem:s2], [sflag:$0x2] =	stream.linear.gather [hbm4b:s0+s2], $0x200, $0x38;
	[tilespmem:$0x8200] =	vst v63  }
0x1c: {  	_ =	swait.ge [sflag:s13], $0x200  }
0x1d: {  	[sflag:s13] =	ssyncset.done $0x0  }
0x1e: {  	s12 =	simm.s32 $0x0;
	[sflag:s13] =	ssyncadd.s32 $0xFFFFFE00  }
0x1f: {  	v2 =	vld.msk [tilespmem:s12+$0x0], $0xff;
	_ =	sdelay $0x4  }
0x20: {  	v3 =	vshll.u32 v2, $0x5  }
0x21: {  	v2 =	vand.u32 $0x3, v2;
	v3 =	vand.u32 $0xFFFFFF80, v3  }
0x22: {  	v2 =	vor.u32 v2, v3  }
0x23: {  	v2 =	vperm.xlane v2, v0;
	_ =	sdelay $0x1  }
0x24: {  	v2 =	vadd.s32 v1, v2;
	_ =	sdelay $0x4  }
0x25: {  	[tilespmem:s14], [sflag:$0x1] =	stream.indirect_vreg.gather [hbm4b:s1+s2], $0x80, v2, vm0, $0xb8;
	[tilespmem:$0x8200] =	vst v63  }
0x26: {  	s0 =	rddreg [dreg:$0x4]  }
0x27: {  	[tilespmem:s15], [sflag:$0x1] =	stream.indirect_vreg.gather [hbm4b:s0+s2], $0x80, v2, vm0, $0xb8;
	[tilespmem:$0x8200] =	vst v63  }
0x28: {  	s4 =	rddreg [dreg:$0x5]  }
0x29: {  	[tilespmem:s16], [sflag:$0x1] =	stream.indirect_vreg.gather [hbm4b:s4+s2], $0x80, v2, vm0, $0xb8;
	[tilespmem:$0x8200] =	vst v63  }
0x2a: {  	s11 =	rddreg [dreg:$0x6]  }
0x2b: {  	[tilespmem:s17], [sflag:$0x1] =	stream.indirect_vreg.gather [hbm4b:s11+s2], $0x80, v2, vm0, $0xb8;
	[tilespmem:$0x8200] =	vst v63  }
0x2c: {  	s12 =	rddreg [dreg:$0x7]  }
0x2d: {  	[tilespmem:s18], [sflag:$0x1] =	stream.indirect_vreg.gather [hbm4b:s12+s2], $0x80, v2, vm0, $0xb8;
	[tilespmem:$0x8200] =	vst v63  }
0x2e: {  	s0 =	rddreg [dreg:$0x8]  }
0x2f: {  	[tilespmem:s19], [sflag:$0x1] =	stream.indirect_vreg.gather [hbm4b:s0+s2], $0x80, v2, vm0, $0xb8;
	[tilespmem:$0x8200] =	vst v63  }
0x30: {  	s11 =	rddreg [dreg:$0x9]  }
0x31: {  	[tilespmem:s20], [sflag:$0x1] =	stream.indirect_vreg.gather [hbm4b:s11+s2], $0x80, v2, vm0, $0xb8;
	[tilespmem:$0x8200] =	vst v63  }
0x32: {  	s12 =	rddreg [dreg:$0xa]  }
0x33: {  	[tilespmem:s21], [sflag:$0x1] =	stream.indirect_vreg.gather [hbm4b:s12+s2], $0x80, v2, vm0, $0xb8;
	[tilespmem:$0x8200] =	vst v63  }
0x34: {  	s0 =	rddreg [dreg:$0xb]  }
0x35: {  	[tilespmem:s22], [sflag:$0x1] =	stream.indirect_vreg.gather [hbm4b:s0+s2], $0x80, v2, vm0, $0xb8;
	[tilespmem:$0x8200] =	vst v63  }
0x36: {  	s11 =	rddreg [dreg:$0xc]  }
0x37: {  	[tilespmem:s23], [sflag:$0x1] =	stream.indirect_vreg.gather [hbm4b:s11+s2], $0x80, v2, vm0, $0xb8;
	[tilespmem:$0x8200] =	vst v63  }
0x38: {  	_ = 	snop  }
0x39: {  	[tilespmem:s24], [sflag:$0x1] =	stream.indirect_vreg.gather [hbm4b:s5+s2], $0x80, v2, vm0, $0xb8;
	[tilespmem:$0x8200] =	vst v63  }
0x3a: {  	_ = 	snop  }
0x3b: {  	[tilespmem:s25], [sflag:$0x1] =	stream.indirect_vreg.gather [hbm4b:s6+s2], $0x80, v2, vm0, $0xb8;
	[tilespmem:$0x8200] =	vst v63  }
0x3c: {  	_ = 	snop  }
0x3d: {  	[tilespmem:s26], [sflag:$0x1] =	stream.indirect_vreg.gather [hbm4b:s7+s2], $0x80, v2, vm0, $0xb8;
	[tilespmem:$0x8200] =	vst v63  }
0x3e: {  	_ = 	snop  }
0x3f: {  	[tilespmem:s28], [sflag:$0x1] =	stream.indirect_vreg.gather [hbm4b:s8+s2], $0x80, v2, vm0, $0xb8;
	[tilespmem:$0x8200] =	vst v63  }
0x40: {  	_ = 	snop  }
0x41: {  	[tilespmem:s29], [sflag:$0x1] =	stream.indirect_vreg.gather [hbm4b:s9+s2], $0x80, v2, vm0, $0xb8;
	[tilespmem:$0x8200] =	vst v63  }
0x42: {  	_ = 	snop  }
0x43: {  	[tilespmem:s30], [sflag:$0x1] =	stream.indirect_vreg.gather [hbm4b:s10+s2], $0x80, v2, vm0, $0xb8;
	[tilespmem:$0x8200] =	vst v63  }
0x44: {  	_ =	swait.ge [sflag:s31], $0x8000  }
0x45: {  	[sflag:s31] =	ssyncset.done $0x0  }
0x46: {  	s12 =	rddreg [dreg:$0xf];
	[sflag:s31] =	ssyncadd.s32 $0xFFFF8000  }
0x47: {  	[hbm4b:s12+s2] =	stream.linear.scatter [tilespmem:s14], [sflag:$0x2], $0x8000, $0x38;
	[tilespmem:$0x8200] =	vst v63  }
0x48: {  	s4 =	simm.s32 $0x20;
	_ =	swait.ge [sflag:s13], $0x8000  }
0x49: {  	s11 =	simm.s32 $0x40;
	s3 =	sadd.s32 $0x1000, s12;
	[sflag:s13] =	ssyncset.done $0x0  }
.LBB2_2:
0x4a: {  	s0 =	sshra.s32 s4, $0x2;
	[sflag:s13] =	ssyncadd.s32 $0xFFFF8000  }
0x4b: {  	v2 =	vld.msk [tilespmem:s0+$0x0], $0xff;
	_ =	sdelay $0x4  }
0x4c: {  	v3 =	vshll.u32 v2, $0x5  }
0x4d: {  	v2 =	vand.u32 $0x3, v2;
	v3 =	vand.u32 $0xFFFFFF80, v3  }
0x4e: {  	v2 =	vor.u32 v2, v3  }
0x4f: {  	v2 =	vperm.xlane v2, v0;
	_ =	sdelay $0x1  }
0x50: {  	v2 =	vadd.s32 v1, v2;
	_ =	sdelay $0x4  }
0x51: {  	[tilespmem:s14], [sflag:$0x1] =	stream.indirect_vreg.gather [hbm4b:s1+s2], $0x80, v2, vm0, $0xb8;
	[tilespmem:$0x8200] =	vst v63  }
0x52: {  	s4 =	smov.u32 s11;
	s0 =	rddreg [dreg:$0x4]  }
0x53: {  	[tilespmem:s15], [sflag:$0x1] =	stream.indirect_vreg.gather [hbm4b:s0+s2], $0x80, v2, vm0, $0xb8;
	[tilespmem:$0x8200] =	vst v63  }
0x54: {  	s12 =	sadd.s32 $0x20, s11;
	p0 =	sne.s32 s11, $0x7E0;
	s11 =	rddreg [dreg:$0x5]  }
0x55: {  	[tilespmem:s16], [sflag:$0x1] =	stream.indirect_vreg.gather [hbm4b:s11+s2], $0x80, v2, vm0, $0xb8;
	[tilespmem:$0x8200] =	vst v63  }
0x56: {  	s0 =	rddreg [dreg:$0x6]  }
0x57: {  	[tilespmem:s17], [sflag:$0x1] =	stream.indirect_vreg.gather [hbm4b:s0+s2], $0x80, v2, vm0, $0xb8;
	[tilespmem:$0x8200] =	vst v63  }
0x58: {  	s11 =	rddreg [dreg:$0x7]  }
0x59: {  	[tilespmem:s18], [sflag:$0x1] =	stream.indirect_vreg.gather [hbm4b:s11+s2], $0x80, v2, vm0, $0xb8;
	[tilespmem:$0x8200] =	vst v63  }
0x5a: {  	s0 =	rddreg [dreg:$0x8]  }
0x5b: {  	[tilespmem:s19], [sflag:$0x1] =	stream.indirect_vreg.gather [hbm4b:s0+s2], $0x80, v2, vm0, $0xb8;
	[tilespmem:$0x8200] =	vst v63  }
0x5c: {  	s11 =	rddreg [dreg:$0x9]  }
0x5d: {  	[tilespmem:s20], [sflag:$0x1] =	stream.indirect_vreg.gather [hbm4b:s11+s2], $0x80, v2, vm0, $0xb8;
	[tilespmem:$0x8200] =	vst v63  }
0x5e: {  	s0 =	rddreg [dreg:$0xa]  }
0x5f: {  	[tilespmem:s21], [sflag:$0x1] =	stream.indirect_vreg.gather [hbm4b:s0+s2], $0x80, v2, vm0, $0xb8;
	[tilespmem:$0x8200] =	vst v63  }
0x60: {  	s11 =	rddreg [dreg:$0xb]  }
0x61: {  	[tilespmem:s22], [sflag:$0x1] =	stream.indirect_vreg.gather [hbm4b:s11+s2], $0x80, v2, vm0, $0xb8;
	[tilespmem:$0x8200] =	vst v63  }
0x62: {  	s0 =	rddreg [dreg:$0xc]  }
0x63: {  	[tilespmem:s23], [sflag:$0x1] =	stream.indirect_vreg.gather [hbm4b:s0+s2], $0x80, v2, vm0, $0xb8;
	[tilespmem:$0x8200] =	vst v63  }
0x64: {  	_ = 	snop  }
0x65: {  	[tilespmem:s24], [sflag:$0x1] =	stream.indirect_vreg.gather [hbm4b:s5+s2], $0x80, v2, vm0, $0xb8;
	[tilespmem:$0x8200] =	vst v63  }
0x66: {  	_ = 	snop  }
0x67: {  	[tilespmem:s25], [sflag:$0x1] =	stream.indirect_vreg.gather [hbm4b:s6+s2], $0x80, v2, vm0, $0xb8;
	[tilespmem:$0x8200] =	vst v63  }
0x68: {  	_ = 	snop  }
0x69: {  	[tilespmem:s26], [sflag:$0x1] =	stream.indirect_vreg.gather [hbm4b:s7+s2], $0x80, v2, vm0, $0xb8;
	[tilespmem:$0x8200] =	vst v63  }
0x6a: {  	_ = 	snop  }
0x6b: {  	[tilespmem:s28], [sflag:$0x1] =	stream.indirect_vreg.gather [hbm4b:s8+s2], $0x80, v2, vm0, $0xb8;
	[tilespmem:$0x8200] =	vst v63  }
0x6c: {  	_ = 	snop  }
0x6d: {  	[tilespmem:s29], [sflag:$0x1] =	stream.indirect_vreg.gather [hbm4b:s9+s2], $0x80, v2, vm0, $0xb8;
	[tilespmem:$0x8200] =	vst v63  }
0x6e: {  	_ = 	snop  }
0x6f: {  	[tilespmem:s30], [sflag:$0x1] =	stream.indirect_vreg.gather [hbm4b:s10+s2], $0x80, v2, vm0, $0xb8;
	[tilespmem:$0x8200] =	vst v63  }
0x70: {  	_ =	swait.ge [sflag:s31], $0x8000  }
.Ltmp0:
0x71: {  	[sflag:s31] =	ssyncset.done $0x0;
	(pc) =	sbr.rel @p0 .LBB2_2-.Ltmp0, $4  }
0x72: {  	[sflag:s31] =	ssyncadd.s32 $0xFFFF8000  }
0x73: {  	[hbm4b:s3+s2] =	stream.linear.scatter [tilespmem:s14], [sflag:$0x2], $0x8000, $0x38;
	[tilespmem:$0x8200] =	vst v63  }
0x74: {  	_ =	swait.ge [sflag:s13], $0x8000  }
0x75: {  	s11 =	smov.u32 s12;
	s3 =	sadd.s32 $0x1000, s3;
	[sflag:s13] =	ssyncset.done $0x0  }
0x76: {  	s0 =	sshra.s32 s4, $0x2;
	[sflag:s13] =	ssyncadd.s32 $0xFFFF8000  }
0x77: {  	v2 =	vld.msk [tilespmem:s0+$0x0], $0xff;
	_ =	sdelay $0x4  }
0x78: {  	v3 =	vshll.u32 v2, $0x5  }
0x79: {  	v2 =	vand.u32 $0x3, v2;
	v3 =	vand.u32 $0xFFFFFF80, v3  }
0x7a: {  	v2 =	vor.u32 v2, v3  }
0x7b: {  	v2 =	vperm.xlane v2, v0;
	_ =	sdelay $0x1  }
0x7c: {  	v2 =	vadd.s32 v1, v2;
	_ =	sdelay $0x4  }
0x7d: {  	[tilespmem:s14], [sflag:$0x1] =	stream.indirect_vreg.gather [hbm4b:s1+s2], $0x80, v2, vm0, $0xb8;
	[tilespmem:$0x8200] =	vst v63  }
0x7e: {  	s4 =	rddreg [dreg:$0x4]  }
0x7f: {  	[tilespmem:s15], [sflag:$0x1] =	stream.indirect_vreg.gather [hbm4b:s4+s2], $0x80, v2, vm0, $0xb8;
	[tilespmem:$0x8200] =	vst v63  }
0x80: {  	s11 =	rddreg [dreg:$0x5]  }
0x81: {  	[tilespmem:s16], [sflag:$0x1] =	stream.indirect_vreg.gather [hbm4b:s11+s2], $0x80, v2, vm0, $0xb8;
	[tilespmem:$0x8200] =	vst v63  }
0x82: {  	s12 =	rddreg [dreg:$0x6]  }
0x83: {  	[tilespmem:s17], [sflag:$0x1] =	stream.indirect_vreg.gather [hbm4b:s12+s2], $0x80, v2, vm0, $0xb8;
	[tilespmem:$0x8200] =	vst v63  }
0x84: {  	s11 =	rddreg [dreg:$0x7]  }
0x85: {  	[tilespmem:s18], [sflag:$0x1] =	stream.indirect_vreg.gather [hbm4b:s11+s2], $0x80, v2, vm0, $0xb8;
	[tilespmem:$0x8200] =	vst v63  }
0x86: {  	s12 =	rddreg [dreg:$0x8]  }
0x87: {  	[tilespmem:s19], [sflag:$0x1] =	stream.indirect_vreg.gather [hbm4b:s12+s2], $0x80, v2, vm0, $0xb8;
	[tilespmem:$0x8200] =	vst v63  }
0x88: {  	s11 =	rddreg [dreg:$0x9]  }
0x89: {  	[tilespmem:s20], [sflag:$0x1] =	stream.indirect_vreg.gather [hbm4b:s11+s2], $0x80, v2, vm0, $0xb8;
	[tilespmem:$0x8200] =	vst v63  }
0x8a: {  	s12 =	rddreg [dreg:$0xa]  }
0x8b: {  	[tilespmem:s21], [sflag:$0x1] =	stream.indirect_vreg.gather [hbm4b:s12+s2], $0x80, v2, vm0, $0xb8;
	[tilespmem:$0x8200] =	vst v63  }
0x8c: {  	s11 =	rddreg [dreg:$0xb]  }
0x8d: {  	[tilespmem:s22], [sflag:$0x1] =	stream.indirect_vreg.gather [hbm4b:s11+s2], $0x80, v2, vm0, $0xb8;
	[tilespmem:$0x8200] =	vst v63  }
0x8e: {  	s12 =	rddreg [dreg:$0xc]  }
0x8f: {  	[tilespmem:s23], [sflag:$0x1] =	stream.indirect_vreg.gather [hbm4b:s12+s2], $0x80, v2, vm0, $0xb8;
	[tilespmem:$0x8200] =	vst v63  }
0x90: {  	_ = 	snop  }
0x91: {  	[tilespmem:s24], [sflag:$0x1] =	stream.indirect_vreg.gather [hbm4b:s5+s2], $0x80, v2, vm0, $0xb8;
	[tilespmem:$0x8200] =	vst v63  }
0x92: {  	_ = 	snop  }
0x93: {  	[tilespmem:s25], [sflag:$0x1] =	stream.indirect_vreg.gather [hbm4b:s6+s2], $0x80, v2, vm0, $0xb8;
	[tilespmem:$0x8200] =	vst v63  }
0x94: {  	_ = 	snop  }
0x95: {  	[tilespmem:s26], [sflag:$0x1] =	stream.indirect_vreg.gather [hbm4b:s7+s2], $0x80, v2, vm0, $0xb8;
	[tilespmem:$0x8200] =	vst v63  }
0x96: {  	_ = 	snop  }
0x97: {  	[tilespmem:s28], [sflag:$0x1] =	stream.indirect_vreg.gather [hbm4b:s8+s2], $0x80, v2, vm0, $0xb8;
	[tilespmem:$0x8200] =	vst v63  }
0x98: {  	_ = 	snop  }
0x99: {  	[tilespmem:s29], [sflag:$0x1] =	stream.indirect_vreg.gather [hbm4b:s9+s2], $0x80, v2, vm0, $0xb8;
	[tilespmem:$0x8200] =	vst v63  }
0x9a: {  	_ = 	snop  }
0x9b: {  	[tilespmem:s30], [sflag:$0x1] =	stream.indirect_vreg.gather [hbm4b:s10+s2], $0x80, v2, vm0, $0xb8;
	[tilespmem:$0x8200] =	vst v63  }
0x9c: {  	_ =	swait.ge [sflag:s31], $0x8000  }
0x9d: {  	[sflag:s31] =	ssyncset.done $0x0  }
0x9e: {  	[sflag:s31] =	ssyncadd.s32 $0xFFFF8000  }
0x9f: {  	[hbm4b:s3+s2] =	stream.linear.scatter [tilespmem:s14], [sflag:$0x2], $0x8000, $0x38;
	[tilespmem:$0x8200] =	vst v63  }
0xa0: {  	_ =	swait.ge [sflag:s13], $0x8000  }
0xa1: {  	s11 =	rddreg [dreg:$0x10]  }
0xa2: {  	s12 =	rddreg [dreg:$0xe];
	s3 =	sadd.s32 $0x1, s11  }
0xa3: {  	p0 =	sne.s32 s3, s12  }
.Ltmp1:
0xa4: {  	_ = 	snop;
	(pc) =	sbr.rel @p0 .LBB2_1-.Ltmp1, $3  }
0xa5: {  	_ =	sdelay $0x1  }
0xa6: {  	[sflag:s13] =	ssyncset.done $0x0  }
0xa7: {  	[sflag:s13] =	ssyncadd.s32 $0xFFFF8000  }
0xa8: {  	_ =	sfence.sel $0x180000  }
0xa9: {  	[bflag:$0x0] =	sbarrier.arrive $0xFFFF  }
0xaa: {  	_ =	strace $0x90000047  }
0xab: {  	s0 =	stileid.u32;
	[bflag:$0x2] =	sbarrier.arrive $0xFFFF  }
0xac: {  	p0 =	sne.s32 s0, $0x0;
	s0 =	rddreg [dreg:$0x3]  }
0xad: {  	s0 =	sadd.s32 @!p0 $0x100000, s0  }
0xae: {  	[sflag:s0] =	ssyncadd.tile.s32 @!p0 $0x1;
	_ =	shalt  }
.Lfunc_end2:
_tile_overlayer_lowered:
.L_overlay_start_2:
0xaf: {  	(tag) =	ssettag $0x2  }
0xb0: {  	s0 =	rddreg [dreg:$0x0];
	s2 =	stileid.u32  }
0xb1: {  	s1 =	rddreg [dreg:$0x1];
	p0 =	sne.s32 s2, $0x0  }
0xb2: {  	s3 =	rddreg [dreg:$0x2];
	[bflag:$0x3] =	sbarrier.arrive $0xFFFF;
	s2 =	simm.s32 @!p0 $0x1C02  }
0xb3: {  	[timem:s3], [sflag:s2] =	dma.local @!p0 [hbm:s0], s1  }
0xb4: {  	s0 =	simm.s32 @!p0 $0x2  }
0xb5: {  	_ =	swait.ge @!p0 [sflag:s0], s1  }
0xb6: {  	s1 =	ssub.s32 @!p0 $0x0, s1;
	[sflag:s0] =	ssyncset.done @!p0 $0x0  }
0xb7: {  	[sflag:s0] =	ssyncadd.s32 @!p0 s1  }
0xb8: {  	[bflag:$0x3] =	sbarrier.arrive $0xFFFF  }
0xb9: {  	_ =	shalt  }

</sc_bundles>
